<compile_context>
chip_gen: v7x
topology: tpu7x:2x2x1
jax: 0.10.2.dev20260603
libtpu: 0.0.44.dev20260713+nightly
codegen_flags: <defaults>
</compile_context>

<pallas_src>
import functools

import jax
import jax.numpy as jnp
from jax import lax
from jax.experimental import pallas as pl
from jax.experimental.pallas import tpu as pltpu
from jax.experimental.pallas import tpu_sc as plsc

N_NODES = 10000
N_EDGES = 160000
D = 256
H = 8
TABW = 10

_NWORK = 32
_EW = N_EDGES // _NWORK
_NGROUP = _EW // 16 + 1

_EB = 16000


def _tc_table_body(x_ref, psiW_ref, u_ref, dw_ref, pb_ref, out_ref):
    c = u_ref[:] + dw_ref[:] + pb_ref[:]
    P = jnp.concatenate([c[None, :], psiW_ref[:]], axis=0)
    P1 = P[:, :D]
    P2 = P[:, D:]
    WE = jnp.concatenate([P1[0:1], P1[2:3], P1[4:5], P2[1:2], P2[3:4]], axis=0)
    WO = jnp.concatenate([P1[1:2], P1[3:4], P2[0:1], P2[2:3], P2[4:5]], axis=0)
    dn = (((1,), (1,)), ((), ()))
    ME = lax.dot_general(x_ref[:], WE, dn,
                         preferred_element_type=jnp.float32)
    MO = lax.dot_general(x_ref[:], WO, dn,
                         preferred_element_type=jnp.float32)
    ue = lax.bitcast_convert_type(ME.astype(jnp.bfloat16),
                                  jnp.uint16).astype(jnp.int32)
    uo = lax.bitcast_convert_type(MO.astype(jnp.bfloat16),
                                  jnp.uint16).astype(jnp.int32)
    w = ue | (uo << 16)
    out_ref[:] = jnp.concatenate(
        [w, jnp.zeros((N_NODES, 3), jnp.int32)], axis=1)


def _build_table(x, psi_W, u, delta_w, psi_b):
    return pl.pallas_call(
        _tc_table_body,
        out_shape=jax.ShapeDtypeStruct((N_NODES, 8), jnp.int32),
    )(x, psi_W, u, delta_w, psi_b)


_PB = 8192


def _tc_pack_body(ei_ref, sf_ref, rc_ref, w01_ref, w23_ref):
    r = ei_ref[0, :]
    c = ei_ref[1, :]
    rc_ref[:] = r * 16384 + c
    sft = jnp.transpose(sf_ref[:])
    u = lax.bitcast_convert_type(
        sft.astype(jnp.bfloat16), jnp.uint16).astype(jnp.int32)
    w01_ref[:] = u[0, :] | (u[1, :] << 16)
    w23_ref[:] = u[2, :] | (u[3, :] << 16)


def _pack_edges(edge_index, structural_features):
    grid = (pl.cdiv(N_EDGES, _PB),)
    o1d = pl.BlockSpec((_PB,), lambda i: (i,))
    return pl.pallas_call(
        _tc_pack_body,
        grid=grid,
        in_specs=[
            pl.BlockSpec((2, _PB), lambda i: (0, i)),
            pl.BlockSpec((_PB, 4), lambda i: (i, 0)),
        ],
        out_specs=[o1d, o1d, o1d],
        out_shape=[
            jax.ShapeDtypeStruct((N_EDGES,), jnp.int32),
            jax.ShapeDtypeStruct((N_EDGES,), jnp.int32),
            jax.ShapeDtypeStruct((N_EDGES,), jnp.int32),
        ],
    )(edge_index, structural_features)


def _sc_edge_body(tab_hbm, rc_hbm, w01_hbm, w23_hbm, out_hbm,
                  tab_v, rc_v, w01_v, w23_v, base_v, sem):
    nc = 2
    wid = lax.axis_index("s") * nc + lax.axis_index("c")
    base = wid * _EW

    cps = [
        pltpu.async_copy(tab_hbm, tab_v, sem),
        pltpu.async_copy(rc_hbm.at[pl.ds(base, _EW)], rc_v, sem),
        pltpu.async_copy(w01_hbm.at[pl.ds(base, _EW)], w01_v, sem),
        pltpu.async_copy(w23_hbm.at[pl.ds(base, _EW)], w23_v, sem),
    ]
    for cp in cps:
        cp.wait()

    def unpack_lo(w):
        return plsc.bitcast(lax.shift_left(w, 16), jnp.float32)

    def unpack_hi(w):
        return plsc.bitcast(
            lax.shift_left(lax.shift_right_logical(w, 16), 16), jnp.float32)

    def group(g, carry):
        es = jnp.minimum(g * 16, _EW - 16)
        rc = rc_v[pl.ds(es, 16)]
        row10 = lax.shift_left(lax.shift_right_logical(rc, 14), 3)
        col10 = lax.shift_left(rc & 16383, 3)
        w01 = w01_v[pl.ds(es, 16)]
        w23 = w23_v[pl.ds(es, 16)]

        def gat(jcol, idx10):
            return plsc.load_gather(tab_v, [idx10 + jcol])

        wr0 = gat(0, row10)
        wr1 = gat(1, row10)
        wr2 = gat(2, row10)
        wc2 = gat(2, col10)
        wc3 = gat(3, col10)
        wc4 = gat(4, col10)
        s0 = unpack_lo(w01)
        s1 = unpack_hi(w01)
        s2 = unpack_lo(w23)
        s3 = unpack_hi(w23)
        ta = (unpack_lo(wr0) + unpack_hi(wc2)) \
            + s0 * (unpack_hi(wr0) + unpack_lo(wc3))
        tb = s1 * (unpack_lo(wr1) + unpack_hi(wc3)) \
            + s2 * (unpack_hi(wr1) + unpack_lo(wc4))
        z = (ta + tb) + s3 * (unpack_lo(wr2) + unpack_hi(wc4))
        base_v[pl.ds(es, 16)] = jnp.maximum(z, jnp.float32(0.01) * z)
        return carry

    lax.fori_loop(0, _NGROUP, group, 0)
    pltpu.sync_copy(base_v, out_hbm.at[pl.ds(base, _EW)])


def _edge_scores(tab_flat, rc, w01, w23):
    mesh = plsc.VectorSubcoreMesh(core_axis_name="c", subcore_axis_name="s")
    fn = functools.partial(
        pl.kernel,
        out_type=jax.ShapeDtypeStruct((N_EDGES,), jnp.float32),
        mesh=mesh,
        compiler_params=pltpu.CompilerParams(needs_layout_passes=False),
        scratch_types=[
            pltpu.VMEM((N_NODES * 8,), jnp.int32),
            pltpu.VMEM((_EW,), jnp.int32),
            pltpu.VMEM((_EW,), jnp.int32),
            pltpu.VMEM((_EW,), jnp.int32),
            pltpu.VMEM((_EW,), jnp.float32),
            pltpu.SemaphoreType.DMA,
        ],
    )(_sc_edge_body)
    return fn(tab_flat, rc, w01, w23)


def _tc_expand_body(base_ref, g_ref, out_ref):
    out_ref[:] = base_ref[:][:, None] * g_ref[:][None, :]


def _expand(base, gamma):
    return pl.pallas_call(
        _tc_expand_body,
        out_shape=jax.ShapeDtypeStruct((N_EDGES, H), jnp.float32),
    )(base, gamma)


def kernel(x, edge_index, structural_features, layer_idx, psi_W, psi_b,
           delta_w, u, gamma):
    del layer_idx
    tab_flat = _build_table(x, psi_W, u, delta_w, psi_b).reshape(-1)
    rc = edge_index[0] * 16384 + edge_index[1]
    sfb = lax.bitcast_convert_type(
        structural_features.astype(jnp.bfloat16), jnp.uint16).astype(jnp.int32)
    w01 = sfb[:, 0] | (sfb[:, 1] << 16)
    w23 = sfb[:, 2] | (sfb[:, 3] << 16)
    base = _edge_scores(tab_flat, rc, w01, w23)
    return base[:, None] * gamma[None, :]

# --- scband reference (transcript-rebuilt; emitter-appended) ---
"""Pipeline reference for scband-meta-leappredictor-74208444940496 (READ-ONLY COPY).

The authoritative reference and input builder live on the scoring server;
editing this copy changes nothing except your own understanding.
"""

import jax, jax.numpy as jnp
import numpy as np

N_NODES = 10000
N_EDGES = 160000
D = 256          # in_channels
H = 8            # heads
TWO_D = 2 * D    # 512


def setup_inputs(seed: int = 0) -> dict:
    key = jax.random.key(seed)
    ks = jax.random.split(key, 8)
    x = jax.random.normal(ks[0], (N_NODES, D), dtype=jnp.float32)
    edge_index = jax.random.randint(ks[1], (2, N_EDGES), 0, N_NODES, dtype=jnp.int32)
    structural_features = jax.random.normal(ks[2], (N_EDGES, 4), dtype=jnp.float32)
    # psi meta-network (loaded from checkpoint in torch): modeled as linear [4 -> 2*D]
    psi_W = jax.random.normal(ks[3], (4, TWO_D), dtype=jnp.float32) * 0.1
    psi_b = jnp.zeros((TWO_D,), dtype=jnp.float32)
    # learned parameters for layer_idx=0
    delta_w = jnp.zeros((TWO_D,), dtype=jnp.float32)           # nn.Parameter(torch.zeros)
    u = jax.random.normal(ks[4], (TWO_D,), dtype=jnp.float32)  # nn.Parameter(torch.randn)
    gamma = jnp.ones((H,), dtype=jnp.float32)                  # nn.Parameter(torch.ones)
    return {
        "x": x,
        "edge_index": edge_index,
        "structural_features": structural_features,
        "layer_idx": 0,
        "psi_W": psi_W,
        "psi_b": psi_b,
        "delta_w": delta_w,
        "u": u,
        "gamma": gamma,
    }


def reference(x, edge_index, structural_features, layer_idx, psi_W, psi_b, delta_w, u, gamma):
    # w0 = self.psi(structural_features)  (under no_grad)
    w0 = structural_features @ psi_W + psi_b            # [E, 2D]
    w = w0 + delta_w                                    # [E, 2D]
    row = edge_index[0]
    col = edge_index[1]
    phi_ij = jnp.concatenate([x[row], x[col]], axis=-1)  # [E, 2D] (gather)
    base_pred = jax.nn.leaky_relu(jnp.sum(phi_ij * (u + w), axis=-1), negative_slope=0.01)  # [E]
    y_hat_h = gamma[None, :] * base_pred[:, None]        # [E, H]
    return y_hat_h

if __name__ == "__main__":
    import jax
    _d = setup_inputs()
    print(jax.jit(kernel)(*tuple(_d.values())))

</pallas_src>

<mosaic_0001>
#map = affine_map<(d0, d1) -> (0)>
module attributes {stable_mosaic.version = 14 : i64} {
  func.func @_sc_edge_body(%arg0: i32, %arg1: i32, %arg2: memref<80000xi32, #tpu.memory_space<hbm>>, %arg3: memref<160000xi32, #tpu.memory_space<hbm>>, %arg4: memref<160000xi32, #tpu.memory_space<hbm>>, %arg5: memref<160000xi32, #tpu.memory_space<hbm>>, %arg6: memref<160000xf32, #tpu.memory_space<hbm>>, %arg7: memref<80000xi32, #tpu.memory_space<vmem>>, %arg8: memref<5000xi32, #tpu.memory_space<vmem>>, %arg9: memref<5000xi32, #tpu.memory_space<vmem>>, %arg10: memref<5000xi32, #tpu.memory_space<vmem>>, %arg11: memref<5000xf32, #tpu.memory_space<vmem>>, %arg12: memref<!tpu.dma_semaphore, #tpu.memory_space<semaphore_mem>>) attributes {dimension_semantics = [#tpu.dimension_semantics<core_parallel>, #tpu.dimension_semantics<subcore_parallel>], iteration_bounds = array<i64: 2, 16>, scalar_prefetch = 0 : i64, scratch_operands = 6 : i64, tpu.core_type = #tpu.core_type<sc_vector_subcore>, window_params = [{transform_indices = #map}, {transform_indices = #map}, {transform_indices = #map}, {transform_indices = #map}, {transform_indices = #map}]} {
    %mul3A = arith.constant 2 : i32
    %mul3A_0 = arith.muli %arg1, %mul3A : i32
    %add3A = arith.addi %mul3A_0, %arg0 : i32
    %mul3A_1 = arith.constant 5000 : i32
    %mul3A_2 = arith.muli %add3A, %mul3A_1 : i32
    tpu.enqueue_dma source(%arg2 : memref<80000xi32, #tpu.memory_space<hbm>>) target(%arg7 : memref<80000xi32, #tpu.memory_space<vmem>>) target_semaphore(%arg12 : memref<!tpu.dma_semaphore, #tpu.memory_space<semaphore_mem>>)
    %dma_start3A = tpu.memref_slice %arg3[%mul3A_2] : memref<160000xi32, #tpu.memory_space<hbm>> -> memref<5000xi32, #tpu.memory_space<hbm>>
    %dma_start3A_3 = tpu.memref_slice %arg3[%mul3A_2] : memref<160000xi32, #tpu.memory_space<hbm>> -> memref<5000xi32, #tpu.memory_space<hbm>>
    tpu.enqueue_dma source(%dma_start3A_3 : memref<5000xi32, #tpu.memory_space<hbm>>) target(%arg8 : memref<5000xi32, #tpu.memory_space<vmem>>) target_semaphore(%arg12 : memref<!tpu.dma_semaphore, #tpu.memory_space<semaphore_mem>>)
    %dma_start3A_4 = tpu.memref_slice %arg4[%mul3A_2] : memref<160000xi32, #tpu.memory_space<hbm>> -> memref<5000xi32, #tpu.memory_space<hbm>>
    %dma_start3A_5 = tpu.memref_slice %arg4[%mul3A_2] : memref<160000xi32, #tpu.memory_space<hbm>> -> memref<5000xi32, #tpu.memory_space<hbm>>
    tpu.enqueue_dma source(%dma_start3A_5 : memref<5000xi32, #tpu.memory_space<hbm>>) target(%arg9 : memref<5000xi32, #tpu.memory_space<vmem>>) target_semaphore(%arg12 : memref<!tpu.dma_semaphore, #tpu.memory_space<semaphore_mem>>)
    %dma_start3A_6 = tpu.memref_slice %arg5[%mul3A_2] : memref<160000xi32, #tpu.memory_space<hbm>> -> memref<5000xi32, #tpu.memory_space<hbm>>
    %dma_start3A_7 = tpu.memref_slice %arg5[%mul3A_2] : memref<160000xi32, #tpu.memory_space<hbm>> -> memref<5000xi32, #tpu.memory_space<hbm>>
    tpu.enqueue_dma source(%dma_start3A_7 : memref<5000xi32, #tpu.memory_space<hbm>>) target(%arg10 : memref<5000xi32, #tpu.memory_space<vmem>>) target_semaphore(%arg12 : memref<!tpu.dma_semaphore, #tpu.memory_space<semaphore_mem>>)
    tpu.wait_dma2 semaphore(%arg12 : memref<!tpu.dma_semaphore, #tpu.memory_space<semaphore_mem>>) src(%arg2 : memref<80000xi32, #tpu.memory_space<hbm>>) dst(%arg7 : memref<80000xi32, #tpu.memory_space<vmem>>)
    %dma_wait3A = tpu.memref_slice %arg3[%mul3A_2] : memref<160000xi32, #tpu.memory_space<hbm>> -> memref<5000xi32, #tpu.memory_space<hbm>>
    %dma_wait3A_8 = tpu.memref_slice %arg3[%mul3A_2] : memref<160000xi32, #tpu.memory_space<hbm>> -> memref<5000xi32, #tpu.memory_space<hbm>>
    tpu.wait_dma2 semaphore(%arg12 : memref<!tpu.dma_semaphore, #tpu.memory_space<semaphore_mem>>) src(%dma_wait3A_8 : memref<5000xi32, #tpu.memory_space<hbm>>) dst(%arg8 : memref<5000xi32, #tpu.memory_space<vmem>>)
    %dma_wait3A_9 = tpu.memref_slice %arg4[%mul3A_2] : memref<160000xi32, #tpu.memory_space<hbm>> -> memref<5000xi32, #tpu.memory_space<hbm>>
    %dma_wait3A_10 = tpu.memref_slice %arg4[%mul3A_2] : memref<160000xi32, #tpu.memory_space<hbm>> -> memref<5000xi32, #tpu.memory_space<hbm>>
    tpu.wait_dma2 semaphore(%arg12 : memref<!tpu.dma_semaphore, #tpu.memory_space<semaphore_mem>>) src(%dma_wait3A_10 : memref<5000xi32, #tpu.memory_space<hbm>>) dst(%arg9 : memref<5000xi32, #tpu.memory_space<vmem>>)
    %dma_wait3A_11 = tpu.memref_slice %arg5[%mul3A_2] : memref<160000xi32, #tpu.memory_space<hbm>> -> memref<5000xi32, #tpu.memory_space<hbm>>
    %dma_wait3A_12 = tpu.memref_slice %arg5[%mul3A_2] : memref<160000xi32, #tpu.memory_space<hbm>> -> memref<5000xi32, #tpu.memory_space<hbm>>
    tpu.wait_dma2 semaphore(%arg12 : memref<!tpu.dma_semaphore, #tpu.memory_space<semaphore_mem>>) src(%dma_wait3A_12 : memref<5000xi32, #tpu.memory_space<hbm>>) dst(%arg10 : memref<5000xi32, #tpu.memory_space<vmem>>)
    %scan3A = arith.constant 0 : i32
    %scan3A_13 = arith.constant 0 : i32
    %scan3A_14 = arith.constant 313 : i32
    %scan3A_15 = arith.addi %scan3A_13, %scan3A_14 : i32
    %scan3A_16 = arith.constant 1 : i32
    scf.for %scan3A_18 = %scan3A_13 to %scan3A_15 step %scan3A_16  : i32 {
      %mul3A_19 = arith.constant 16 : i32
      %mul3A_20 = arith.muli %scan3A_18, %mul3A_19 : i32
      %min3A = arith.constant 4984 : i32
      %min3A_21 = arith.minsi %mul3A_20, %min3A : i32
      %get3A = arith.index_cast %min3A_21 : i32 to index
      %get3A_22 = tpu.vector_load %arg8[%get3A] {strides = array<i32>} : memref<5000xi32, #tpu.memory_space<vmem>>, vector<16xi32>,
      %shift_right_logical3A = arith.constant 14 : i32
      %shift_right_logical3A_23 = vector.broadcast %shift_right_logical3A : i32 to vector<16xi32>
      %shift_right_logical3A_24 = arith.shrui %get3A_22, %shift_right_logical3A_23 : vector<16xi32>
      %shift_left3A = arith.constant 3 : i32
      %shift_left3A_25 = vector.broadcast %shift_left3A : i32 to vector<16xi32>
      %shift_left3A_26 = arith.shli %shift_right_logical3A_24, %shift_left3A_25 : vector<16xi32>
      %and3A = arith.constant 16383 : i32
      %and3A_27 = vector.broadcast %and3A : i32 to vector<16xi32>
      %and3A_28 = arith.andi %get3A_22, %and3A_27 : vector<16xi32>
      %shift_left3A_29 = arith.constant 3 : i32
      %shift_left3A_30 = vector.broadcast %shift_left3A_29 : i32 to vector<16xi32>
      %shift_left3A_31 = arith.shli %and3A_28, %shift_left3A_30 : vector<16xi32>
      %get3A_32 = arith.index_cast %min3A_21 : i32 to index
      %get3A_33 = tpu.vector_load %arg9[%get3A_32] {strides = array<i32>} : memref<5000xi32, #tpu.memory_space<vmem>>, vector<16xi32>,
      %get3A_34 = arith.index_cast %min3A_21 : i32 to index
      %get3A_35 = tpu.vector_load %arg10[%get3A_34] {strides = array<i32>} : memref<5000xi32, #tpu.memory_space<vmem>>, vector<16xi32>,
      %add3A_36 = arith.constant 0 : i32
      %add3A_37 = vector.broadcast %add3A_36 : i32 to vector<16xi32>
      %add3A_38 = arith.addi %shift_left3A_26, %add3A_37 : vector<16xi32>
      %gather3A = tpu.vector_load_idx %arg7[%add3A_38] : memref<80000xi32, #tpu.memory_space<vmem>>[vector<16xi32>], vector<16xi32>,
      %add3A_39 = arith.constant 1 : i32
      %add3A_40 = vector.broadcast %add3A_39 : i32 to vector<16xi32>
      %add3A_41 = arith.addi %shift_left3A_26, %add3A_40 : vector<16xi32>
      %gather3A_42 = tpu.vector_load_idx %arg7[%add3A_41] : memref<80000xi32, #tpu.memory_space<vmem>>[vector<16xi32>], vector<16xi32>,
      %add3A_43 = arith.constant 2 : i32
      %add3A_44 = vector.broadcast %add3A_43 : i32 to vector<16xi32>
      %add3A_45 = arith.addi %shift_left3A_26, %add3A_44 : vector<16xi32>
      %gather3A_46 = tpu.vector_load_idx %arg7[%add3A_45] : memref<80000xi32, #tpu.memory_space<vmem>>[vector<16xi32>], vector<16xi32>,
      %add3A_47 = arith.constant 2 : i32
      %add3A_48 = vector.broadcast %add3A_47 : i32 to vector<16xi32>
      %add3A_49 = arith.addi %shift_left3A_31, %add3A_48 : vector<16xi32>
      %gather3A_50 = tpu.vector_load_idx %arg7[%add3A_49] : memref<80000xi32, #tpu.memory_space<vmem>>[vector<16xi32>], vector<16xi32>,
      %add3A_51 = arith.constant 3 : i32
      %add3A_52 = vector.broadcast %add3A_51 : i32 to vector<16xi32>
      %add3A_53 = arith.addi %shift_left3A_31, %add3A_52 : vector<16xi32>
      %gather3A_54 = tpu.vector_load_idx %arg7[%add3A_53] : memref<80000xi32, #tpu.memory_space<vmem>>[vector<16xi32>], vector<16xi32>,
      %add3A_55 = arith.constant 4 : i32
      %add3A_56 = vector.broadcast %add3A_55 : i32 to vector<16xi32>
      %add3A_57 = arith.addi %shift_left3A_31, %add3A_56 : vector<16xi32>
      %gather3A_58 = tpu.vector_load_idx %arg7[%add3A_57] : memref<80000xi32, #tpu.memory_space<vmem>>[vector<16xi32>], vector<16xi32>,
      %shift_left3A_59 = arith.constant 16 : i32
      %shift_left3A_60 = vector.broadcast %shift_left3A_59 : i32 to vector<16xi32>
      %shift_left3A_61 = arith.shli %get3A_33, %shift_left3A_60 : vector<16xi32>
      %bitcast3A = vector.bitcast %shift_left3A_61 : vector<16xi32> to vector<16xf32>
      %shift_right_logical3A_62 = arith.constant 16 : i32
      %shift_right_logical3A_63 = vector.broadcast %shift_right_logical3A_62 : i32 to vector<16xi32>
      %shift_right_logical3A_64 = arith.shrui %get3A_33, %shift_right_logical3A_63 : vector<16xi32>
      %shift_left3A_65 = arith.constant 16 : i32
      %shift_left3A_66 = vector.broadcast %shift_left3A_65 : i32 to vector<16xi32>
      %shift_left3A_67 = arith.shli %shift_right_logical3A_64, %shift_left3A_66 : vector<16xi32>
      %bitcast3A_68 = vector.bitcast %shift_left3A_67 : vector<16xi32> to vector<16xf32>
      %shift_left3A_69 = arith.constant 16 : i32
      %shift_left3A_70 = vector.broadcast %shift_left3A_69 : i32 to vector<16xi32>
      %shift_left3A_71 = arith.shli %get3A_35, %shift_left3A_70 : vector<16xi32>
      %bitcast3A_72 = vector.bitcast %shift_left3A_71 : vector<16xi32> to vector<16xf32>
      %shift_right_logical3A_73 = arith.constant 16 : i32
      %shift_right_logical3A_74 = vector.broadcast %shift_right_logical3A_73 : i32 to vector<16xi32>
      %shift_right_logical3A_75 = arith.shrui %get3A_35, %shift_right_logical3A_74 : vector<16xi32>
      %shift_left3A_76 = arith.constant 16 : i32
      %shift_left3A_77 = vector.broadcast %shift_left3A_76 : i32 to vector<16xi32>
      %shift_left3A_78 = arith.shli %shift_right_logical3A_75, %shift_left3A_77 : vector<16xi32>
      %bitcast3A_79 = vector.bitcast %shift_left3A_78 : vector<16xi32> to vector<16xf32>
      %shift_left3A_80 = arith.constant 16 : i32
      %shift_left3A_81 = vector.broadcast %shift_left3A_80 : i32 to vector<16xi32>
      %shift_left3A_82 = arith.shli %gather3A, %shift_left3A_81 : vector<16xi32>
      %bitcast3A_83 = vector.bitcast %shift_left3A_82 : vector<16xi32> to vector<16xf32>
      %shift_right_logical3A_84 = arith.constant 16 : i32
      %shift_right_logical3A_85 = vector.broadcast %shift_right_logical3A_84 : i32 to vector<16xi32>
      %shift_right_logical3A_86 = arith.shrui %gather3A_50, %shift_right_logical3A_85 : vector<16xi32>
      %shift_left3A_87 = arith.constant 16 : i32
      %shift_left3A_88 = vector.broadcast %shift_left3A_87 : i32 to vector<16xi32>
      %shift_left3A_89 = arith.shli %shift_right_logical3A_86, %shift_left3A_88 : vector<16xi32>
      %bitcast3A_90 = vector.bitcast %shift_left3A_89 : vector<16xi32> to vector<16xf32>
      %add3A_91 = arith.addf %bitcast3A_83, %bitcast3A_90 : vector<16xf32>
      %shift_right_logical3A_92 = arith.constant 16 : i32
      %shift_right_logical3A_93 = vector.broadcast %shift_right_logical3A_92 : i32 to vector<16xi32>
      %shift_right_logical3A_94 = arith.shrui %gather3A, %shift_right_logical3A_93 : vector<16xi32>
      %shift_left3A_95 = arith.constant 16 : i32
      %shift_left3A_96 = vector.broadcast %shift_left3A_95 : i32 to vector<16xi32>
      %shift_left3A_97 = arith.shli %shift_right_logical3A_94, %shift_left3A_96 : vector<16xi32>
      %bitcast3A_98 = vector.bitcast %shift_left3A_97 : vector<16xi32> to vector<16xf32>
      %shift_left3A_99 = arith.constant 16 : i32
      %shift_left3A_100 = vector.broadcast %shift_left3A_99 : i32 to vector<16xi32>
      %shift_left3A_101 = arith.shli %gather3A_54, %shift_left3A_100 : vector<16xi32>
      %bitcast3A_102 = vector.bitcast %shift_left3A_101 : vector<16xi32> to vector<16xf32>
      %add3A_103 = arith.addf %bitcast3A_98, %bitcast3A_102 : vector<16xf32>
      %mul3A_104 = arith.mulf %bitcast3A, %add3A_103 : vector<16xf32>
      %add3A_105 = arith.addf %add3A_91, %mul3A_104 : vector<16xf32>
      %shift_left3A_106 = arith.constant 16 : i32
      %shift_left3A_107 = vector.broadcast %shift_left3A_106 : i32 to vector<16xi32>
      %shift_left3A_108 = arith.shli %gather3A_42, %shift_left3A_107 : vector<16xi32>
      %bitcast3A_109 = vector.bitcast %shift_left3A_108 : vector<16xi32> to vector<16xf32>
      %shift_right_logical3A_110 = arith.constant 16 : i32
      %shift_right_logical3A_111 = vector.broadcast %shift_right_logical3A_110 : i32 to vector<16xi32>
      %shift_right_logical3A_112 = arith.shrui %gather3A_54, %shift_right_logical3A_111 : vector<16xi32>
      %shift_left3A_113 = arith.constant 16 : i32
      %shift_left3A_114 = vector.broadcast %shift_left3A_113 : i32 to vector<16xi32>
      %shift_left3A_115 = arith.shli %shift_right_logical3A_112, %shift_left3A_114 : vector<16xi32>
      %bitcast3A_116 = vector.bitcast %shift_left3A_115 : vector<16xi32> to vector<16xf32>
      %add3A_117 = arith.addf %bitcast3A_109, %bitcast3A_116 : vector<16xf32>
      %mul3A_118 = arith.mulf %bitcast3A_68, %add3A_117 : vector<16xf32>
      %shift_right_logical3A_119 = arith.constant 16 : i32
      %shift_right_logical3A_120 = vector.broadcast %shift_right_logical3A_119 : i32 to vector<16xi32>
      %shift_right_logical3A_121 = arith.shrui %gather3A_42, %shift_right_logical3A_120 : vector<16xi32>
      %shift_left3A_122 = arith.constant 16 : i32
      %shift_left3A_123 = vector.broadcast %shift_left3A_122 : i32 to vector<16xi32>
      %shift_left3A_124 = arith.shli %shift_right_logical3A_121, %shift_left3A_123 : vector<16xi32>
      %bitcast3A_125 = vector.bitcast %shift_left3A_124 : vector<16xi32> to vector<16xf32>
      %shift_left3A_126 = arith.constant 16 : i32
      %shift_left3A_127 = vector.broadcast %shift_left3A_126 : i32 to vector<16xi32>
      %shift_left3A_128 = arith.shli %gather3A_58, %shift_left3A_127 : vector<16xi32>
      %bitcast3A_129 = vector.bitcast %shift_left3A_128 : vector<16xi32> to vector<16xf32>
      %add3A_130 = arith.addf %bitcast3A_125, %bitcast3A_129 : vector<16xf32>
      %mul3A_131 = arith.mulf %bitcast3A_72, %add3A_130 : vector<16xf32>
      %add3A_132 = arith.addf %mul3A_118, %mul3A_131 : vector<16xf32>
      %add3A_133 = arith.addf %add3A_105, %add3A_132 : vector<16xf32>
      %shift_left3A_134 = arith.constant 16 : i32
      %shift_left3A_135 = vector.broadcast %shift_left3A_134 : i32 to vector<16xi32>
      %shift_left3A_136 = arith.shli %gather3A_46, %shift_left3A_135 : vector<16xi32>
      %bitcast3A_137 = vector.bitcast %shift_left3A_136 : vector<16xi32> to vector<16xf32>
      %shift_right_logical3A_138 = arith.constant 16 : i32
      %shift_right_logical3A_139 = vector.broadcast %shift_right_logical3A_138 : i32 to vector<16xi32>
      %shift_right_logical3A_140 = arith.shrui %gather3A_58, %shift_right_logical3A_139 : vector<16xi32>
      %shift_left3A_141 = arith.constant 16 : i32
      %shift_left3A_142 = vector.broadcast %shift_left3A_141 : i32 to vector<16xi32>
      %shift_left3A_143 = arith.shli %shift_right_logical3A_140, %shift_left3A_142 : vector<16xi32>
      %bitcast3A_144 = vector.bitcast %shift_left3A_143 : vector<16xi32> to vector<16xf32>
      %add3A_145 = arith.addf %bitcast3A_137, %bitcast3A_144 : vector<16xf32>
      %mul3A_146 = arith.mulf %bitcast3A_79, %add3A_145 : vector<16xf32>
      %add3A_147 = arith.addf %add3A_133, %mul3A_146 : vector<16xf32>
      %mul3A_148 = arith.constant 0.00999999977 : f32
      %mul3A_149 = vector.broadcast %mul3A_148 : f32 to vector<16xf32>
      %mul3A_150 = arith.mulf %mul3A_149, %add3A_147 : vector<16xf32>
      %max3A = arith.maximumf %add3A_147, %mul3A_150 : vector<16xf32>
      %swap3A = arith.index_cast %min3A_21 : i32 to index
      %swap3A_151 = tpu.vector_load %arg11[%swap3A] {strides = array<i32>} : memref<5000xf32, #tpu.memory_space<vmem>>, vector<16xf32>,
      tpu.vector_store %arg11[%swap3A], %max3A {strides = array<i32>} : memref<5000xf32, #tpu.memory_space<vmem>>, vector<16xf32>,
    }
    %scan3A_17 = arith.constant 313 : i32
    "tpu.region"() ({
      %run_scoped3A = tpu.sem_alloc : memref<!tpu.dma_semaphore, #tpu.memory_space<semaphore_mem>>
      %dma_start3A_18 = tpu.memref_slice %arg6[%mul3A_2] : memref<160000xf32, #tpu.memory_space<hbm>> -> memref<5000xf32, #tpu.memory_space<hbm>>
      %dma_start3A_19 = tpu.memref_slice %arg6[%mul3A_2] : memref<160000xf32, #tpu.memory_space<hbm>> -> memref<5000xf32, #tpu.memory_space<hbm>>
      tpu.enqueue_dma source(%arg11 : memref<5000xf32, #tpu.memory_space<vmem>>) target(%dma_start3A_19 : memref<5000xf32, #tpu.memory_space<hbm>>) target_semaphore(%run_scoped3A : memref<!tpu.dma_semaphore, #tpu.memory_space<semaphore_mem>>)
      %dma_wait3A_20 = tpu.memref_slice %arg6[%mul3A_2] : memref<160000xf32, #tpu.memory_space<hbm>> -> memref<5000xf32, #tpu.memory_space<hbm>>
      %dma_wait3A_21 = tpu.memref_slice %arg6[%mul3A_2] : memref<160000xf32, #tpu.memory_space<hbm>> -> memref<5000xf32, #tpu.memory_space<hbm>>
      tpu.wait_dma2 semaphore(%run_scoped3A : memref<!tpu.dma_semaphore, #tpu.memory_space<semaphore_mem>>) src(%arg11 : memref<5000xf32, #tpu.memory_space<vmem>>) dst(%dma_wait3A_21 : memref<5000xf32, #tpu.memory_space<hbm>>)
      tpu.yield
    }) : () -> ()
    return
  }
}

module attributes {stable_mosaic.version = 14 : i64} {
  func.func @_tc_table_body(%arg0: memref<10000x256xf32, #tpu.memory_space<vmem>>, %arg1: memref<4x512xf32, #tpu.memory_space<vmem>>, %arg2: memref<512xf32, #tpu.memory_space<vmem>>, %arg3: memref<512xf32, #tpu.memory_space<vmem>>, %arg4: memref<512xf32, #tpu.memory_space<vmem>>, %arg5: memref<10000x8xi32, #tpu.memory_space<vmem>>) attributes {dimension_semantics = [], scalar_prefetch = 0 : i64, scratch_operands = 0 : i64, tpu.core_type = #tpu.core_type<tc>} {
    %get3A = arith.constant 0 : index
    %get3A_0 = vector.load %arg2[%get3A] : memref<512xf32, #tpu.memory_space<vmem>>, vector<512xf32>
    %get3A_1 = arith.constant 0 : index
    %get3A_2 = vector.load %arg3[%get3A_1] : memref<512xf32, #tpu.memory_space<vmem>>, vector<512xf32>
    %add3A = arith.addf %get3A_0, %get3A_2 : vector<512xf32>
    %get3A_3 = arith.constant 0 : index
    %get3A_4 = vector.load %arg4[%get3A_3] : memref<512xf32, #tpu.memory_space<vmem>>, vector<512xf32>
    %add3A_5 = arith.addf %add3A, %get3A_4 : vector<512xf32>
    %broadcast_in_dim3A = vector.shape_cast %add3A_5 : vector<512xf32> to vector<1x512xf32>
    %get3A_6 = arith.constant 0 : index
    %get3A_7 = arith.constant 0 : index
    %get3A_8 = vector.load %arg1[%get3A_6, %get3A_7] : memref<4x512xf32, #tpu.memory_space<vmem>>, vector<4x512xf32>
    %concatenate3A = tpu.concatenate %broadcast_in_dim3A, %get3A_8 in 0 : vector<1x512xf32>, vector<4x512xf32> -> vector<5x512xf32>
    %slice3A = vector.extract_strided_slice %concatenate3A {offsets = [0, 0], sizes = [5, 256], strides = [1, 1]} : vector<5x512xf32> to vector<5x256xf32>
    %slice3A_9 = vector.extract_strided_slice %concatenate3A {offsets = [0, 256], sizes = [5, 256], strides = [1, 1]} : vector<5x512xf32> to vector<5x256xf32>
    %slice3A_10 = vector.extract_strided_slice %slice3A {offsets = [0, 0], sizes = [1, 256], strides = [1, 1]} : vector<5x256xf32> to vector<1x256xf32>
    %slice3A_11 = vector.extract_strided_slice %slice3A {offsets = [2, 0], sizes = [1, 256], strides = [1, 1]} : vector<5x256xf32> to vector<1x256xf32>
    %slice3A_12 = vector.extract_strided_slice %slice3A {offsets = [4, 0], sizes = [1, 256], strides = [1, 1]} : vector<5x256xf32> to vector<1x256xf32>
    %slice3A_13 = vector.extract_strided_slice %slice3A_9 {offsets = [1, 0], sizes = [1, 256], strides = [1, 1]} : vector<5x256xf32> to vector<1x256xf32>
    %slice3A_14 = vector.extract_strided_slice %slice3A_9 {offsets = [3, 0], sizes = [1, 256], strides = [1, 1]} : vector<5x256xf32> to vector<1x256xf32>
    %concatenate3A_15 = tpu.concatenate %slice3A_10, %slice3A_11, %slice3A_12, %slice3A_13, %slice3A_14 in 0 : vector<1x256xf32>, vector<1x256xf32>, vector<1x256xf32>, vector<1x256xf32>, vector<1x256xf32> -> vector<5x256xf32>
    %slice3A_16 = vector.extract_strided_slice %slice3A {offsets = [1, 0], sizes = [1, 256], strides = [1, 1]} : vector<5x256xf32> to vector<1x256xf32>
    %slice3A_17 = vector.extract_strided_slice %slice3A {offsets = [3, 0], sizes = [1, 256], strides = [1, 1]} : vector<5x256xf32> to vector<1x256xf32>
    %slice3A_18 = vector.extract_strided_slice %slice3A_9 {offsets = [0, 0], sizes = [1, 256], strides = [1, 1]} : vector<5x256xf32> to vector<1x256xf32>
    %slice3A_19 = vector.extract_strided_slice %slice3A_9 {offsets = [2, 0], sizes = [1, 256], strides = [1, 1]} : vector<5x256xf32> to vector<1x256xf32>
    %slice3A_20 = vector.extract_strided_slice %slice3A_9 {offsets = [4, 0], sizes = [1, 256], strides = [1, 1]} : vector<5x256xf32> to vector<1x256xf32>
    %concatenate3A_21 = tpu.concatenate %slice3A_16, %slice3A_17, %slice3A_18, %slice3A_19, %slice3A_20 in 0 : vector<1x256xf32>, vector<1x256xf32>, vector<1x256xf32>, vector<1x256xf32>, vector<1x256xf32> -> vector<5x256xf32>
    %get3A_22 = arith.constant 0 : index
    %get3A_23 = arith.constant 0 : index
    %get3A_24 = vector.load %arg0[%get3A_22, %get3A_23] : memref<10000x256xf32, #tpu.memory_space<vmem>>, vector<10000x256xf32>
    %dot_general3A = arith.constant dense<0.000000e+00> : vector<10000x5xf32>
    %dot_general3A_25 = tpu.matmul %get3A_24, %concatenate3A_15, %dot_general3A {dimension_numbers = #tpu.dot_dimension_numbers<[1], [1], [0], [0], [0, 0, 1, 0], [], []>, transpose_lhs_hint = false} : vector<10000x256xf32>, vector<5x256xf32>, vector<10000x5xf32> -> vector<10000x5xf32>
    %get3A_26 = arith.constant 0 : index
    %get3A_27 = arith.constant 0 : index
    %get3A_28 = vector.load %arg0[%get3A_26, %get3A_27] : memref<10000x256xf32, #tpu.memory_space<vmem>>, vector<10000x256xf32>
    %dot_general3A_29 = arith.constant dense<0.000000e+00> : vector<10000x5xf32>
    %dot_general3A_30 = tpu.matmul %get3A_28, %concatenate3A_21, %dot_general3A_29 {dimension_numbers = #tpu.dot_dimension_numbers<[1], [1], [0], [0], [0, 0, 1, 0], [], []>, transpose_lhs_hint = false} : vector<10000x256xf32>, vector<5x256xf32>, vector<10000x5xf32> -> vector<10000x5xf32>
    %convert_element_type3A = arith.truncf %dot_general3A_25 : vector<10000x5xf32> to vector<10000x5xbf16>
    %bitcast_convert_type3A = tpu.bitcast %convert_element_type3A : vector<10000x5xbf16> -> vector<10000x5xi16>
    %convert_element_type3A_31 = arith.extui %bitcast_convert_type3A : vector<10000x5xi16> to vector<10000x5xi32>
    %convert_element_type3A_32 = arith.truncf %dot_general3A_30 : vector<10000x5xf32> to vector<10000x5xbf16>
    %bitcast_convert_type3A_33 = tpu.bitcast %convert_element_type3A_32 : vector<10000x5xbf16> -> vector<10000x5xi16>
    %convert_element_type3A_34 = arith.extui %bitcast_convert_type3A_33 : vector<10000x5xi16> to vector<10000x5xi32>
    %shift_left3A = arith.constant 16 : i32
    %shift_left3A_35 = vector.broadcast %shift_left3A : i32 to vector<10000x5xi32>
    %shift_left3A_36 = arith.shli %convert_element_type3A_34, %shift_left3A_35 : vector<10000x5xi32>
    %or3A = arith.ori %convert_element_type3A_31, %shift_left3A_36 : vector<10000x5xi32>
    %broadcast_in_dim3A_37 = arith.constant 0 : i32
    %broadcast_in_dim3A_38 = vector.broadcast %broadcast_in_dim3A_37 : i32 to vector<10000x3xi32>
    %concatenate3A_39 = tpu.concatenate %or3A, %broadcast_in_dim3A_38 in 1 : vector<10000x5xi32>, vector<10000x3xi32> -> vector<10000x8xi32>
    %swap3A = arith.constant 0 : index
    %swap3A_40 = arith.constant 0 : index
    %swap3A_41 = vector.load %arg5[%swap3A, %swap3A_40] : memref<10000x8xi32, #tpu.memory_space<vmem>>, vector<10000x8xi32>
    tpu.vector_store %arg5[%swap3A, %swap3A_40], %concatenate3A_39 {strides = array<i32>} : memref<10000x8xi32, #tpu.memory_space<vmem>>, vector<10000x8xi32>,
    return
  }
}

</mosaic_0001>

<sc_bundles>
// kernel: kernel.4.cloned.1.call-start
scs
__scs_entry_jumppad:
0x0: {  	(pc) =	sbr.rel $0x88, $3  }
0x1: {  	(tag) =	ssettag $0x0;
	lr =	simm.s32 $0x1  }
0x2: {  	[smem:$0x3F99] =	sst lr;
	_ =	strace $0xD0000000  }
0x3: {  	_ = 	snop  }
0x4: {  	_ = 	snop  }
0x5: {  	_ = 	snop  }
0x6: {  	_ = 	snop  }
0x7: {  	_ = 	snop  }
__scs_overlays_trampoline_lowered:
0x8: {  	[smem:$0x3FA8] =	sst s0  }
0x9: {  	[smem:$0x3FA9] =	sst s1  }
0xa: {  	[smem:$0x3FAA] =	sst s2  }
0xb: {  	[smem:$0x3FAB] =	sst s3  }
0xc: {  	[smem:$0x3FAC] =	sst s4  }
0xd: {  	[smem:$0x3FAD] =	sst s5  }
0xe: {  	[smem:$0x3FAE] =	sst s6  }
0xf: {  	[smem:$0x3FAF] =	sst s7  }
0x10: {  	[smem:$0x3FB0] =	sst s8  }
0x11: {  	[smem:$0x3FB1] =	sst s9;
	s0 =	simm.s32 @!p0 $0x0  }
0x12: {  	s1 =	sld [smem:$0x3F97];
	s0 =	simm.s32 @p0 $0x1  }
0x13: {  	[smem:$0x3FB2] =	sst s0;
	s0 =	simm.s32 @!p1 $0x0  }
0x14: {  	s2 =	sld [smem:$0x3F96];
	s0 =	simm.s32 @p1 $0x1  }
0x15: {  	[smem:$0x3FB3] =	sst s0;
	s0 =	simm.s32 @!p2 $0x0  }
0x16: {  	s3 =	sld [smem:$0x3FDB];
	s0 =	simm.s32 @p2 $0x1  }
0x17: {  	s4 =	simm.s32 $0x1BF5;
	[smem:$0x3FB5] =	sst s0  }
0x18: {  	s0 =	sld [smem:$0x3F98];
	_ =	swait.ge [sflag:s4], $0x0  }
0x19: {  	s7 =	sld [smem:$0x3F99]  }
0x1a: {  	s8 =	sadd.s32 $0xFFFFE003, lr  }
0x1b: {  	s9 =	sadd.s32 $0xFFFFFEF7, lr;
	s5 =	simm.s32 $0xFFFFFFFF;
	p2 =	slt.u32 s8, $0xFFFFF086  }
0x1c: {  	p1 =	slt.u32 s9, $0xF7A;
	s5 =	simm.s32 @!p2 $0x0  }
0x1d: {  	s5 =	simm.s32 @p1 $0x1;
	p0 =	seq.s32 s7, s2  }
0x1e: {  	s7 =	smul.u32 @!p0 $0xF7A, s2;
	p2 =	seq.s32 @!p0 s5, $0x0  }
0x1f: {  	s9 =	smul.u32 $0xF7A, s1;
	s8 =	simm.s32 @!p0 $0x1BF5;
	p2 =	por !p2, p0  }
0x20: {  	[sflag:s8] =	ssyncset.s32 @!p0 $0xFFFFF086;
	s6 =	sadd.s32 @!p0 s3, s7;
	s7 =	simm.s32 @!p0 $0x108  }
0x21: {  	s3 =	sadd.s32 s3, s9;
	s6 =	sadd.s32 @!p0 $0x88, s6;
	s7 =	simm.s32 @p2 $0x1082  }
0x22: {  	[simem:s7], [sflag:s8] =	dma.local @!p0 [hbm:s6], $0xF7A  }
0x23: {  	s9 =	sor.u32 $0xD0000000, s2;
	s6 =	simm.s32 $0x108;
	_ =	swait.ge @!p0 [sflag:s8], $0x0  }
0x24: {  	s3 =	sadd.s32 $0x88, s3;
	s6 =	simm.s32 @!p1 $0x1082;
	[sflag:s4] =	ssyncset.s32 $0xFFFFF086  }
0x25: {  	[simem:s6], [sflag:s4] =	dma.local [hbm:s3], $0xF7A  }
0x26: {  	[smem:$0x3F99] =	sst s1;
	(tag) =	ssettag s2;
	_ =	strace s9  }
0x27: {  	s1 =	sld [smem:$0x3FA9]  }
0x28: {  	s2 =	sld [smem:$0x3FAA]  }
0x29: {  	s4 =	sld [smem:$0x3FAC]  }
0x2a: {  	p0 =	seq.s32 s5, $0x0;
	s5 =	sld [smem:$0x3FAD]  }
0x2b: {  	s6 =	sld [smem:$0x3FAE]  }
0x2c: {  	s7 =	sld [smem:$0x3FAF]  }
0x2d: {  	s3 =	simm.s32 $0x108;
	s8 =	sld [smem:$0x3FB0]  }
0x2e: {  	s3 =	simm.s32 @!p0 $0x1082;
	s9 =	sld [smem:$0x3FB1]  }
0x2f: {  	lr =	sadd.s32 s0, s3;
	s0 =	sld [smem:$0x3FA8]  }
0x30: {  	s3 =	sld [smem:$0x3FAB]  }
0x31: {  	[smem:$0x3FB4] =	sst s10  }
0x32: {  	s10 =	sld [smem:$0x3FB2];
	_ =	sdelay $0x3  }
0x33: {  	p0 =	seq.s32 s10, $0x1;
	s10 =	sld [smem:$0x3FB4];
	_ =	sdelay $0x3  }
0x34: {  	[smem:$0x3FB4] =	sst s10  }
0x35: {  	s10 =	sld [smem:$0x3FB3];
	_ =	sdelay $0x3  }
0x36: {  	p1 =	seq.s32 s10, $0x1;
	s10 =	sld [smem:$0x3FB4];
	_ =	sdelay $0x3  }
0x37: {  	[smem:$0x3FB4] =	sst s10  }
0x38: {  	s10 =	sld [smem:$0x3FB5]  }
0x39: {  	_ = 	snop;
	(pc) =	sbr.ind lr, $3  }
0x3a: {  	_ = 	snop  }
0x3b: {  	_ = 	snop  }
0x3c: {  	p2 =	seq.s32 s10, $0x1;
	s10 =	sld [smem:$0x3FB4]  }
0x3d: {  	_ =	shalt  }
0x3e: {  	_ =	shalt  }
0x3f: {  	_ =	shalt  }
0x40: {  	_ =	shalt  }
0x41: {  	_ =	shalt  }
0x42: {  	_ =	shalt  }
0x43: {  	_ =	shalt  }
0x44: {  	_ =	shalt  }
0x45: {  	_ =	shalt  }
0x46: {  	_ =	shalt  }
0x47: {  	_ =	shalt  }
0x48: {  	_ =	shalt  }
0x49: {  	_ =	shalt  }
0x4a: {  	_ =	shalt  }
0x4b: {  	_ =	shalt  }
0x4c: {  	_ =	shalt  }
0x4d: {  	_ =	shalt  }
0x4e: {  	_ =	shalt  }
0x4f: {  	_ =	shalt  }
0x50: {  	_ =	shalt  }
0x51: {  	_ =	shalt  }
0x52: {  	_ =	shalt  }
0x53: {  	_ =	shalt  }
0x54: {  	_ =	shalt  }
0x55: {  	_ =	shalt  }
0x56: {  	_ =	shalt  }
0x57: {  	_ =	shalt  }
0x58: {  	_ =	shalt  }
0x59: {  	_ =	shalt  }
0x5a: {  	_ =	shalt  }
0x5b: {  	_ =	shalt  }
0x5c: {  	_ =	shalt  }
0x5d: {  	_ =	shalt  }
0x5e: {  	_ =	shalt  }
0x5f: {  	_ =	shalt  }
0x60: {  	_ =	shalt  }
0x61: {  	_ =	shalt  }
0x62: {  	_ =	shalt  }
0x63: {  	_ =	shalt  }
0x64: {  	_ =	shalt  }
0x65: {  	_ =	shalt  }
0x66: {  	_ =	shalt  }
0x67: {  	_ =	shalt  }
0x68: {  	_ =	shalt  }
0x69: {  	_ =	shalt  }
0x6a: {  	_ =	shalt  }
0x6b: {  	_ =	shalt  }
0x6c: {  	_ =	shalt  }
0x6d: {  	_ =	shalt  }
0x6e: {  	_ =	shalt  }
0x6f: {  	_ =	shalt  }
0x70: {  	_ =	shalt  }
0x71: {  	_ =	shalt  }
0x72: {  	_ =	shalt  }
0x73: {  	_ =	shalt  }
0x74: {  	_ =	shalt  }
0x75: {  	_ =	shalt  }
0x76: {  	_ =	shalt  }
0x77: {  	_ =	shalt  }
0x78: {  	_ =	shalt  }
0x79: {  	_ =	shalt  }
0x7a: {  	_ =	shalt  }
0x7b: {  	_ =	shalt  }
0x7c: {  	_ =	shalt  }
0x7d: {  	_ =	shalt  }
0x7e: {  	_ =	shalt  }
0x7f: {  	_ =	shalt  }
0x80: {  	_ =	shalt  }
0x81: {  	_ =	shalt  }
0x82: {  	_ =	shalt  }
0x83: {  	_ =	shalt  }
0x84: {  	_ =	shalt  }
0x85: {  	_ =	shalt  }
0x86: {  	_ =	shalt  }
0x87: {  	_ =	shalt  }
.Lfunc_end0:
.L_simem_size_0:
called_computation_lowered:
.L_overlay_start_0:
0x88: {  	s2 =	sld [smem:$0x3FD9]  }
0x89: {  	s3 =	sld [smem:$0x3FFE];
	_ =	sdelay $0x1  }
0x8a: {  	s1 =	srdreg.scid  }
0x8b: {  	s0 =	sand.u32 $0x1, s1  }
0x8c: {  	s17 =	sshll.u32 s0, $0xA;
	s2 =	sadd.s32 s3, s2  }
0x8d: {  	s2 =	sadd.s32 s2, s17  }
0x8e: {  	[smem:$0x3FC0] =	sst s2  }
0x8f: {  	_ = 	snop  }
0x90: {  	s2 =	sld [smem:$0x3FD0];
	(tm) =	ssettm $0x1  }
0x91: {  	s18 =	sld [smem:$0x3FFB];
	_ =	sdelay $0x3  }
0x92: {  	_ =	strace s18  }
0x93: {  	s3 =	sld [smem:$0x3FFC];
	_ =	sdelay $0x3  }
0x94: {  	_ =	strace s3  }
0x95: {  	s3 =	sld [smem:$0x3FFD];
	_ =	sdelay $0x3  }
0x96: {  	_ =	strace s3  }
0x97: {  	_ =	strace $0x8FFFFFFF  }
0x98: {  	s19 =	sld [smem:$0x3FDB];
	_ =	sdelay $0x1  }
0x99: {  	s4 =	simm.s32 $_scs_section_size  }
0x9a: {  	s5 =	simm.s32 $_size__tile_overlayer_lowered;
	s6 =	simm.s32 $_tile_overlayer_lowered  }
0x9b: {  	s22 =	simm.s32 $0x1BFF;
	s21 =	sshll.u32 s6, $0x1;
	s3 =	sadd.s32 s4, s19  }
0x9c: {  	s7 =	simm.s32 $0x0;
	s20 =	sshll.u32 s5, $0x1;
	s5 =	sadd.s32 s21, s3  }
0x9d: {  	[timem:s7], [sflag:s22] =	dma.local [hbm:s5], s20  }
0x9e: {  	_ =	swait.ge [sflag:s22], s20  }
0x9f: {  	s4 =	ssub.s32 $0x0, s20;
	[sflag:s22] =	ssyncset.done $0x0  }
0xa0: {  	[sflag:s22] =	ssyncadd.s32 s4;
	_ =	sdelay $0x1  }
0xa1: {  	s23 =	simm.s32 $0x1B8B  }
0xa2: {  	_ =	swait.ge [sflag:s23], $0x1  }
0xa3: {  	[sflag:s23] =	ssyncset.done $0x0  }
0xa4: {  	s25 =	simm.s32 $0x1B8E;
	s24 =	sld [smem:$0x3FFE];
	[sflag:s23] =	ssyncadd.s32 $0xFFFFFFFF  }
0xa5: {  	s26 =	simm.s32 $execute0_lowered;
	[smem:$0x3FD2] =	sst s25  }
0xa6: {  	s5 =	sshll.u32 s26, $0x1;
	_ =	strace $0x80000046;
	[dreg:$0x1] =	wrdreg $0xFFFFFFFF  }
0xa7: {  	s28 =	simm.s32 $_size_execute0_lowered;
	s3 =	sadd.s32 s3, s5;
	[dreg:$0x0] =	wrdreg $0x0  }
0xa8: {  	s5 =	sshll.u32 s28, $0x1;
	[dreg:$0x2] =	wrdreg s3  }
0xa9: {  	[dreg:$0x3] =	wrdreg s5  }
0xaa: {  	[dreg:$0x4] =	wrdreg $0xC0  }
0xab: {  	_ =	task [dreg:s7], $0x5FFFF  }
0xac: {  	[dreg:$0x1] =	wrdreg $0xFFFFFFFF  }
0xad: {  	[dreg:$0x0] =	wrdreg $0x60  }
0xae: {  	[dreg:$0x2] =	wrdreg s24  }
0xaf: {  	[dreg:$0x3] =	wrdreg s2  }
0xb0: {  	[dreg:$0x4] =	wrdreg $0x9  }
0xb1: {  	_ =	task.clear_ibuf [dreg:s7], $0x5FFFF;
	_ =	strace $0x90000046  }
0xb2: {  	s29 =	simm.s32 $0x9;
	_ =	strace $0x80000048  }
0xb3: {  	_ =	swait.ge [sflag:s29], $0x1  }
0xb4: {  	[sflag:s29] =	ssyncadd.s32 $0xFFFFFFFF  }
0xb5: {  	_ =	strace $0x90000048  }
0xb6: {  	_ =	sfence  }
0xb7: {  	s30 =	sld [smem:$0x0];
	_ =	sdelay $0x2  }
0xb8: {  	s31 =	sshll.u32 s1, $0xD;
	s1 =	sshrl.u32 s1, $0x2  }
0xb9: {  	s3 =	sand.u32 $0x4000, s31;
	s1 =	sadd.s32 s1, s30  }
0xba: {  	s0 =	sor.u32 s3, s0;
	s1 =	sshll.u32 s1, $0x11  }
0xbb: {  	s0 =	sor.u32 s1, s0  }
0xbc: {  	s0 =	sadd.s32 $0x8F2B, s0  }
0xbd: {  	[sflag:s0] =	ssyncadd.remote.s32 $0x1  }
0xbe: {  	_ =	sfence.sel $0xFFFF  }
0xbf: {  	[dreg:$0x0] =	wrdreg $0xFFFFFFFF;
	(pc) =	sbr.abs _section_cstart, $3  }
0xc0: {  	[dreg:$0x1] =	wrdreg $0xFFFFFFFF  }
0xc1: {  	_ =	task.clear_ibuf [dreg:s7], $0x2FFFF;
	_ =	strace $0x9FFFFFFF  }
0xc2: {  	(tm) =	ssettm $0x7FFFFFFF  }
0xc3: {  	_ =	shalt  }
tec
execute0_lowered:
.L_overlay_start_1:
0x0: {  	(tag) =	ssettag $0x1  }
0x1: {  	s4 =	rddreg [dreg:$0x0];
	s1 =	srdreg.scid  }
0x2: {  	s0 =	stileid.u32;
	s5 =	rddreg [dreg:$0x1];
	s2 =	simm.s32 $0x0  }
0x3: {  	s10 =	simm.s32 $0x14C80;
	s11 =	simm.s32 $0x16080;
	s12 =	simm.s32 $0x1  }
0x4: {  	s13 =	simm.s32 $0x17480;
	s3 =	sand.u32 $0x1, s1;
	s6 =	sshll.u32 s0, $0x1  }
0x5: {  	s14 =	simm.s32 $0x2;
	s15 =	simm.s32 $0x0;
	s6 =	sor.u32 s3, s6  }
0x6: {  	[smem:$0x7FF] =	sst s2;
	s7 =	ssub.s32 $0x2, s3;
	s6 =	smul.u32 $0x271, s6  }
0x7: {  	s1 =	rddreg [dreg:$0x2];
	_ =	strace $0x80000047;
	s8 =	sshrl.u32 s7, $0x1  }
0x8: {  	s3 =	sadd.s32 $0x600, s4;
	s8 =	ssub.s32 s7, s8;
	s9 =	sadd.s32 s6, s4  }
0x9: {  	s4 =	sadd.s32 s5, s6;
	s8 =	smax.u32 s8, $0x1;
	s5 =	sadd.s32 $0x7E00, s9  }
0xa: {  	s6 =	sadd.s32 $0x2E00, s9;
	s7 =	sadd.s32 $0xCE00, s9;
	s9 =	simm.s32 $0x13880  }
.LBB2_1:
0xb: {  	[tilespmem:s2], [sflag:$0x1] =	stream.linear.gather [hbm4b:s3+s2], $0x13880, $0x38;
	[tilespmem:$0x18880] =	vst v63  }
0xc: {  	_ = 	snop  }
0xd: {  	[tilespmem:s9], [sflag:$0x1] =	stream.linear.gather [hbm4b:s4+s2], $0x1388, $0x38;
	[tilespmem:$0x18880] =	vst v63  }
0xe: {  	_ = 	snop  }
0xf: {  	[tilespmem:s10], [sflag:$0x1] =	stream.linear.gather [hbm4b:s5+s2], $0x1388, $0x38;
	[tilespmem:$0x18880] =	vst v63  }
0x10: {  	_ = 	snop  }
0x11: {  	[tilespmem:s11], [sflag:$0x1] =	stream.linear.gather [hbm4b:s6+s2], $0x1388, $0x38;
	[tilespmem:$0x18880] =	vst v63  }
0x12: {  	_ =	swait.ge [sflag:s12], $0x13880  }
0x13: {  	[sflag:s12] =	ssyncset.done $0x0  }
0x14: {  	[sflag:s12] =	ssyncadd.s32 $0xFFFEC780  }
0x15: {  	_ =	swait.ge [sflag:s12], $0x1388  }
0x16: {  	[sflag:s12] =	ssyncset.done $0x0  }
0x17: {  	[sflag:s12] =	ssyncadd.s32 $0xFFFFEC78  }
0x18: {  	_ =	swait.ge [sflag:s12], $0x1388  }
0x19: {  	[sflag:s12] =	ssyncset.done $0x0  }
0x1a: {  	[sflag:s12] =	ssyncadd.s32 $0xFFFFEC78  }
0x1b: {  	_ =	swait.ge [sflag:s12], $0x1388  }
0x1c: {  	[sflag:s12] =	ssyncset.done $0x0  }
0x1d: {  	s16 =	simm.s32 $0x0;
	[sflag:s12] =	ssyncadd.s32 $0xFFFFEC78  }
0x1e: {  	v0 =	vld [tilespmem:s16+$0x13880];
	_ =	sdelay $0x4  }
0x1f: {  	v1 =	vshrl.u32 v0, $0xB  }
0x20: {  	v0 =	vshll.u32 v0, $0x3;
	v1 =	vand.u32 $0x1FFFF8, v1  }
0x21: {  	v0 =	vand.u32 $0x1FFF8, v0;
	v2 =	vor.u32 $0x1, v1  }
0x22: {  	v3 =	vor.u32 $0x4, v0  }
0x23: {  	v5 =	vor.u32 $0x3, v0  }
0x24: {  	v4 =	vld [tilespmem:s16+$0x16080]  }
0x25: {  	v6 =	vld [tilespmem:s16+$0x14C80];
	v0 =	vor.u32 $0x2, v0  }
0x26: {  	v7 =	vor.u32 $0x2, v1;
	v2 =	vld.idx.msk [tilespmem:v2+s2+$0x0], $0xffff  }
0x27: {  	v3 =	vld.idx.msk [tilespmem:v3+s2+$0x0], $0xffff  }
0x28: {  	v5 =	vld.idx.msk [tilespmem:v5+s2+$0x0], $0xffff  }
0x29: {  	v1 =	vld.idx.msk [tilespmem:v1+s2+$0x0], $0xffff  }
0x2a: {  	v0 =	vld.idx.msk [tilespmem:v0+s2+$0x0], $0xffff  }
0x2b: {  	v8 =	vshll.u32 v6, $0x10;
	v6 =	vand.u32 $0xFFFF0000, v6;
	v7 =	vld.idx.msk [tilespmem:v7+s2+$0x0], $0xffff  }
0x2c: {  	v9 =	vshll.u32 v4, $0x10;
	v10 =	vand.u32 $0xFFFF0000, v2;
	v11 =	vshll.u32 v3, $0x10  }
0x2d: {  	v3 =	vand.u32 $0xFFFF0000, v3;
	v2 =	vshll.u32 v2, $0x10;
	v12 =	vshll.u32 v5, $0x10  }
0x2e: {  	s17 =	simm.s32 $0x10;
	v5 =	vand.u32 $0xFFFF0000, v5;
	v10 =	vadd.f32 v11, v10;
	v11 =	vand.u32 $0xFFFF0000, v1  }
0x2f: {  	v13 =	vld [tilespmem:s17+$0x13880];
	v0 =	vand.u32 $0xFFFF0000, v0;
	v2 =	vadd.f32 v5, v2;
	v11 =	vadd.f32 v12, v11  }
0x30: {  	v1 =	vshll.u32 v1, $0x10;
	v5 =	vshll.u32 v7, $0x10;
	v7 =	vmul.f32 v9, v10  }
0x31: {  	v0 =	vadd.f32 v0, v1;
	v2 =	vmul.f32 v6, v2;
	v1 =	vmul.f32 v8, v11  }
0x32: {  	v3 =	vadd.f32 v3, v5  }
0x33: {  	v4 =	vand.u32 $0xFFFF0000, v4;
	v5 =	vadd.f32 v7, v2;
	v1 =	vadd.f32 v1, v0  }
0x34: {  	v6 =	vmul.f32 v4, v3;
	v2 =	vshrl.u32 v13, $0xB;
	v7 =	vshll.u32 v13, $0x3  }
0x35: {  	v0 =	vld [tilespmem:s17+$0x16080];
	v2 =	vand.u32 $0x1FFFF8, v2;
	v7 =	vand.u32 $0x1FFF8, v7;
	v8 =	vadd.f32 v5, v1  }
0x36: {  	s18 =	simm.s32 $0x80;
	v4 =	vor.u32 $0x1, v2;
	v3 =	vor.u32 $0x3, v7;
	v1 =	vld [tilespmem:s17+$0x14C80];
	v5 =	vor.u32 $0x4, v7  }
.LBB2_2:
0x37: {  	p0 =	sne.s32 s18, $0x4DC0;
	v9 =	vor.u32 $0x2, v2;
	v7 =	vor.u32 $0x2, v7;
	v6 =	vadd.f32 v8, v6;
	s19 =	smov.u32 s18;
	s18 =	sadd.s32 $0x40, s18  }
0x38: {  	_ = 	snop  }
0x39: {  	v8 =	vmul.f32 $9.999999770e-03, v6;
	_ =	sdelay $0x1  }
0x3a: {  	v6 =	vmax.f32 v6, v8  }
0x3b: {  	[tilespmem:s16+$0x17480] =	vst v6;
	s16 =	smov.u32 s17  }
0x3c: {  	v4 =	vld.idx.msk [tilespmem:v4+s2+$0x0], $0xffff  }
0x3d: {  	v5 =	vld.idx.msk [tilespmem:v5+s2+$0x0], $0xffff  }
0x3e: {  	v2 =	vld.idx.msk [tilespmem:v2+s2+$0x0], $0xffff  }
0x3f: {  	v3 =	vld.idx.msk [tilespmem:v3+s2+$0x0], $0xffff  }
0x40: {  	v6 =	vld.idx.msk [tilespmem:v9+s2+$0x0], $0xffff  }
0x41: {  	v7 =	vld.idx.msk [tilespmem:v7+s2+$0x0], $0xffff  }
0x42: {  	v8 =	vshll.u32 v1, $0x10;
	v9 =	vand.u32 $0xFFFF0000, v1;
	v1 =	vshll.u32 v0, $0x10  }
0x43: {  	v10 =	vand.u32 $0xFFFF0000, v4;
	v11 =	vshll.u32 v5, $0x10;
	v5 =	vand.u32 $0xFFFF0000, v5  }
0x44: {  	v4 =	vshll.u32 v4, $0x10;
	v12 =	vshll.u32 v2, $0x10;
	v10 =	vadd.f32 v11, v10  }
0x45: {  	s17 =	sshra.s32 s19, $0x2;
	v2 =	vand.u32 $0xFFFF0000, v2;
	v11 =	vshll.u32 v3, $0x10;
	v3 =	vand.u32 $0xFFFF0000, v3  }
0x46: {  	v2 =	vadd.f32 v11, v2;
	v3 =	vadd.f32 v3, v4;
	v4 =	vshll.u32 v6, $0x10;
	v13 =	vld [tilespmem:s17+$0x13880]  }
0x47: {  	v6 =	vand.u32 $0xFFFF0000, v7;
	v7 =	vmul.f32 v1, v10;
	v4 =	vadd.f32 v5, v4;
	v11 =	vld [tilespmem:s17+$0x16080]  }
0x48: {  	v5 =	vadd.f32 v6, v12;
	v2 =	vmul.f32 v8, v2;
	v3 =	vmul.f32 v9, v3;
	v1 =	vld [tilespmem:s17+$0x14C80]  }
.Ltmp0:
0x49: {  	(pc) =	sbr.rel @p0 .LBB2_2-.Ltmp0, $4  }
0x4a: {  	v9 =	vand.u32 $0xFFFF0000, v0;
	v5 =	vadd.f32 v2, v5;
	v3 =	vadd.f32 v7, v3  }
0x4b: {  	v6 =	vmul.f32 v9, v4;
	v2 =	vshrl.u32 v13, $0xB;
	v7 =	vshll.u32 v13, $0x3  }
0x4c: {  	v8 =	vadd.f32 v3, v5;
	v2 =	vand.u32 $0x1FFFF8, v2;
	v7 =	vand.u32 $0x1FFF8, v7;
	v0 =	vmovc v11  }
0x4d: {  	v4 =	vor.u32 $0x1, v2;
	v3 =	vor.u32 $0x3, v7;
	v5 =	vor.u32 $0x4, v7  }
0x4e: {  	v6 =	vadd.f32 v8, v6;
	_ =	sdelay $0x1  }
0x4f: {  	v8 =	vmul.f32 $9.999999770e-03, v6;
	_ =	sdelay $0x1  }
0x50: {  	v6 =	vmax.f32 v6, v8  }
0x51: {  	v37 =	vor.u32 $0x2, v2;
	[tilespmem:s16+$0x17480] =	vst v6  }
0x52: {  	v38 =	vor.u32 $0x2, v7;
	v4 =	vld.idx.msk [tilespmem:v4+s2+$0x0], $0xffff  }
0x53: {  	v5 =	vld.idx.msk [tilespmem:v5+s2+$0x0], $0xffff  }
0x54: {  	v39 =	vld.idx.msk [tilespmem:v2+s2+$0x0], $0xffff  }
0x55: {  	v3 =	vld.idx.msk [tilespmem:v3+s2+$0x0], $0xffff  }
0x56: {  	v40 =	vld.idx.msk [tilespmem:v37+s2+$0x0], $0xffff  }
0x57: {  	v41 =	vshll.u32 v1, $0x10;
	v42 =	vand.u32 $0xFFFF0000, v1;
	v6 =	vld.idx.msk [tilespmem:v38+s2+$0x0], $0xffff  }
0x58: {  	v9 =	vshll.u32 v0, $0x10;
	v10 =	vand.u32 $0xFFFF0000, v4;
	v11 =	vshll.u32 v5, $0x10  }
0x59: {  	v5 =	vand.u32 $0xFFFF0000, v5;
	v4 =	vshll.u32 v4, $0x10;
	v43 =	vand.u32 $0xFFFF0000, v39  }
0x5a: {  	v12 =	vshll.u32 v3, $0x10;
	v3 =	vand.u32 $0xFFFF0000, v3;
	v10 =	vadd.f32 v11, v10  }
0x5b: {  	v2 =	vshll.u32 v39, $0x10;
	v11 =	vadd.f32 v12, v43;
	v3 =	vadd.f32 v3, v4  }
0x5c: {  	v44 =	vshll.u32 v40, $0x10;
	v6 =	vand.u32 $0xFFFF0000, v6;
	v45 =	vmul.f32 v9, v10  }
0x5d: {  	v2 =	vadd.f32 v6, v2;
	v46 =	vmul.f32 v41, v11;
	v1 =	vmul.f32 v42, v3  }
0x5e: {  	v47 =	vadd.f32 v5, v44  }
0x5f: {  	v2 =	vadd.f32 v46, v2;
	v1 =	vadd.f32 v45, v1  }
0x60: {  	v48 =	vand.u32 $0xFFFF0000, v0  }
0x61: {  	v0 =	vmul.f32 v48, v47;
	v1 =	vadd.f32 v1, v2;
	_ =	sdelay $0x1  }
0x62: {  	v0 =	vadd.f32 v1, v0;
	_ =	sdelay $0x1  }
0x63: {  	v1 =	vmul.f32 $9.999999770e-03, v0;
	_ =	sdelay $0x1  }
0x64: {  	v0 =	vmax.f32 v0, v1  }
0x65: {  	[tilespmem:s17+$0x17480] =	vst v0  }
0x66: {  	v0 =	vld [tilespmem:$0x14BF8];
	_ =	sdelay $0x4  }
0x67: {  	v49 =	vshrl.u32 v0, $0xB;
	v0 =	vshll.u32 v0, $0x3  }
0x68: {  	v1 =	vand.u32 $0x1FFFF8, v49;
	v0 =	vand.u32 $0x1FFF8, v0  }
0x69: {  	v50 =	vor.u32 $0x3, v0  }
0x6a: {  	v51 =	vor.u32 $0x1, v1  }
0x6b: {  	v52 =	vor.u32 $0x4, v0  }
0x6c: {  	v53 =	vld [tilespmem:$0x15FF8];
	v0 =	vor.u32 $0x2, v0  }
0x6d: {  	v54 =	vld.idx.msk [tilespmem:v1+s2+$0x0], $0xffff  }
0x6e: {  	v2 =	vld.idx.msk [tilespmem:v50+s2+$0x0], $0xffff  }
0x6f: {  	v1 =	vor.u32 $0x2, v1;
	v3 =	vld.idx.msk [tilespmem:v51+s2+$0x0], $0xffff  }
0x70: {  	v4 =	vld.idx.msk [tilespmem:v52+s2+$0x0], $0xffff  }
0x71: {  	v0 =	vld.idx.msk [tilespmem:v0+s2+$0x0], $0xffff  }
0x72: {  	v55 =	vld [tilespmem:$0x173F8];
	v56 =	vshll.u32 v53, $0x10  }
0x73: {  	v5 =	vand.u32 $0xFFFF0000, v53;
	v57 =	vand.u32 $0xFFFF0000, v54;
	v6 =	vshll.u32 v54, $0x10  }
0x74: {  	v1 =	vld.idx.msk [tilespmem:v1+s2+$0x0], $0xffff;
	v58 =	vshll.u32 v2, $0x10;
	v59 =	vshll.u32 v3, $0x10;
	v2 =	vand.u32 $0xFFFF0000, v2  }
0x75: {  	v3 =	vand.u32 $0xFFFF0000, v3;
	v60 =	vshll.u32 v4, $0x10;
	v9 =	vadd.f32 v58, v57  }
0x76: {  	v0 =	vand.u32 $0xFFFF0000, v0;
	v2 =	vadd.f32 v2, v59;
	v3 =	vadd.f32 v60, v3  }
0x77: {  	v61 =	vshll.u32 v55, $0x10;
	v0 =	vadd.f32 v0, v6;
	v62 =	vmul.f32 v56, v9  }
0x78: {  	v2 =	vmul.f32 v5, v2;
	v3 =	vmul.f32 v61, v3  }
0x79: {  	v4 =	vand.u32 $0xFFFF0000, v4;
	v1 =	vshll.u32 v1, $0x10;
	v0 =	vadd.f32 v62, v0  }
0x7a: {  	v2 =	vadd.f32 v3, v2;
	v1 =	vadd.f32 v4, v1  }
0x7b: {  	v63 =	vand.u32 $0xFFFF0000, v55  }
0x7c: {  	v0 =	vadd.f32 v2, v0;
	v1 =	vmul.f32 v63, v1;
	_ =	sdelay $0x1  }
0x7d: {  	v0 =	vadd.f32 v0, v1;
	_ =	sdelay $0x1  }
0x7e: {  	v1 =	vmul.f32 $9.999999770e-03, v0  }
0x7f: {  	s15 =	sadd.s32 $0x1, s15  }
0x80: {  	p0 =	sne.s32 s15, s8;
	v0 =	vmax.f32 v0, v1  }
.Ltmp1:
0x81: {  	[tilespmem:$0x187F8] =	vst v0;
	(pc) =	sbr.rel @p0 .LBB2_1-.Ltmp1, $4  }
0x82: {  	[hbm4b:s7+s2] =	stream.linear.scatter [tilespmem:s13], [sflag:$0x2], $0x1388, $0x38;
	[tilespmem:$0x18880] =	vst v63  }
0x83: {  	_ =	swait.ge [sflag:s14], $0x1388  }
0x84: {  	[sflag:s14] =	ssyncset.done $0x0  }
0x85: {  	[sflag:s14] =	ssyncadd.s32 $0xFFFFEC78  }
0x86: {  	_ =	sfence.sel $0x180000  }
0x87: {  	[bflag:$0x0] =	sbarrier.arrive $0xFFFF  }
0x88: {  	p0 =	sne.s32 s0, $0x0;
	_ =	strace $0x90000047  }
0x89: {  	s0 =	sadd.s32 @!p0 $0x100000, s1;
	[bflag:$0x2] =	sbarrier.arrive $0xFFFF  }
0x8a: {  	[sflag:s0] =	ssyncadd.tile.s32 @!p0 $0x1;
	_ =	shalt  }
.Lfunc_end2:
_tile_overlayer_lowered:
.L_overlay_start_2:
0x8b: {  	(tag) =	ssettag $0x2  }
0x8c: {  	s0 =	rddreg [dreg:$0x0];
	s2 =	stileid.u32  }
0x8d: {  	s1 =	rddreg [dreg:$0x1];
	p0 =	sne.s32 s2, $0x0  }
0x8e: {  	s3 =	rddreg [dreg:$0x2];
	[bflag:$0x3] =	sbarrier.arrive $0xFFFF;
	s2 =	simm.s32 @!p0 $0x1C02  }
0x8f: {  	[timem:s3], [sflag:s2] =	dma.local @!p0 [hbm:s0], s1  }
0x90: {  	s0 =	simm.s32 @!p0 $0x2  }
0x91: {  	_ =	swait.ge @!p0 [sflag:s0], s1  }
0x92: {  	s1 =	ssub.s32 @!p0 $0x0, s1;
	[sflag:s0] =	ssyncset.done @!p0 $0x0  }
0x93: {  	[sflag:s0] =	ssyncadd.s32 @!p0 s1  }
0x94: {  	[bflag:$0x3] =	sbarrier.arrive $0xFFFF  }
0x95: {  	_ =	shalt  }

</sc_bundles>
